<compile_context>
chip_gen: v7x
topology: tpu7x:2x2x1
jax: 0.10.2.dev20260603
libtpu: 0.0.44.dev20260713+nightly
codegen_flags: <defaults>
</compile_context>

<pallas_src>
import functools

import jax
import jax.numpy as jnp
from jax import lax
from jax.experimental import pallas as pl
from jax.experimental.pallas import tpu as pltpu
from jax.experimental.pallas import tpu_sc as plsc

ROWS = 128
N = 32768
K = 16384
L = 16

_NC = 1
_NS = 16
NW = _NC * _NS
KPW = K // NW
_IB = 128
_NIB = KPW // _IB
SLICE = N // _NS


def _make_count_kernel():
    mesh = plsc.VectorSubcoreMesh(core_axis_name="c", subcore_axis_name="s", num_cores=1)

    @functools.partial(
        pl.kernel,
        mesh=mesh,
        out_type=jax.ShapeDtypeStruct((_NC, N), jnp.float32),
        scratch_types=[
            pltpu.VMEM((_NIB, _IB), jnp.int32),
            pltpu.VMEM((_IB,), jnp.float32),
            pltpu.VMEM((SLICE,), jnp.float32),
            pltpu.VMEM_SHARED((N,), jnp.float32),
            pltpu.SemaphoreType.DMA,
        ],
        compiler_params=pltpu.CompilerParams(needs_layout_passes=False),
    )
    def count_kernel(idx_hbm, cnt_hbm, idx_v, ones_v, zeros_v, cnt_sh, sem):
        cid = lax.axis_index("c")
        sid = lax.axis_index("s")
        wid = sid * _NC + cid

        idx_cp = pltpu.make_async_copy(idx_hbm.at[wid], idx_v, sem)
        idx_cp.start()

        ones16 = jnp.ones((L,), jnp.float32)
        zeros16 = jnp.zeros((L,), jnp.float32)

        def fill_ones(i, _):
            ones_v[pl.ds(i * L, L)] = ones16
            return _

        lax.fori_loop(0, _IB // L, fill_ones, None, unroll=8)

        def fill_zeros(i, _):
            zeros_v[pl.ds(i * L, L)] = zeros16
            return _

        lax.fori_loop(0, SLICE // L, fill_zeros, None, unroll=8)

        pltpu.sync_copy(zeros_v, cnt_sh.at[pl.ds(sid * SLICE, SLICE)])
        idx_cp.wait()
        plsc.subcore_barrier()

        cps = [
            pltpu.async_copy(ones_v, cnt_sh.at[idx_v.at[j]], sem, add=True)
            for j in range(_NIB)
        ]
        for cp in cps:
            cp.wait()
        plsc.subcore_barrier()

        pltpu.sync_copy(
            cnt_sh.at[pl.ds(sid * SLICE, SLICE)],
            cnt_hbm.at[cid, pl.ds(sid * SLICE, SLICE)],
        )

    return count_kernel


_count_kernel = _make_count_kernel()

_RBLK = 64


def _mul_body(x_ref, c_ref, o_ref, m_ref):
    @pl.when(pl.program_id(0) == 0)
    def _():
        m_ref[...] = jnp.minimum(c_ref[0, :], 1.0)[None, :]

    o_ref[...] = x_ref[...] * m_ref[...]


def kernel(x, retain_idx):
    counts = _count_kernel(retain_idx.reshape(NW, _NIB, _IB))
    out = pl.pallas_call(
        _mul_body,
        grid=(ROWS // _RBLK,),
        in_specs=[
            pl.BlockSpec((_RBLK, N), lambda j: (j, 0)),
            pl.BlockSpec((_NC, N), lambda j: (0, 0)),
        ],
        out_specs=pl.BlockSpec((_RBLK, N), lambda j: (j, 0)),
        out_shape=jax.ShapeDtypeStruct((ROWS, N), jnp.float32),
        scratch_shapes=[pltpu.VMEM((1, N), jnp.float32)],
    )(x, counts)
    return out

# --- scband reference (transcript-rebuilt; emitter-appended) ---
"""Pipeline reference for scband-pt-mask-13804024889407 (READ-ONLY COPY).

The authoritative reference and input builder live on the scoring server;
editing this copy changes nothing except your own understanding.
"""

import jax, jax.numpy as jnp
import numpy as np


def setup_inputs(seed: int = 0) -> dict:
    key = jax.random.key(seed)
    k1, k2 = jax.random.split(key)
    x = jax.random.normal(k1, (128, 32768), dtype=jnp.float32)
    retain_idx = jax.random.randint(k2, (16384,), 0, 32768, dtype=jnp.int32)
    return {"x": x, "retain_idx": retain_idx}


def reference(x, retain_idx):
    # mask = zeros([1, x.shape[1]] + [1]*(x.dim()-2)); mask[0, retain_idx] = 1.0; return mask * x
    mask_shape = (1, x.shape[1]) + (1,) * (x.ndim - 2)
    mask = jnp.zeros(mask_shape, dtype=x.dtype)
    mask = mask.at[0, retain_idx].set(1.0)
    return mask * x

if __name__ == "__main__":
    import jax
    _d = setup_inputs()
    print(jax.jit(kernel)(*tuple(_d.values())))

</pallas_src>

<mosaic_0001>
#map = affine_map<(d0, d1) -> (0, 0, 0)>
#map1 = affine_map<(d0, d1) -> (0, 0)>
module attributes {stable_mosaic.version = 14 : i64} {
  func.func @count_kernel(%arg0: i32, %arg1: i32, %arg2: memref<16x8x128xi32, #tpu.memory_space<hbm>>, %arg3: memref<1x32768xf32, #tpu.memory_space<hbm>>, %arg4: memref<8x128xi32, #tpu.memory_space<vmem>>, %arg5: memref<128xf32, #tpu.memory_space<vmem>>, %arg6: memref<2048xf32, #tpu.memory_space<vmem>>, %arg7: memref<32768xf32, #tpu.memory_space<vmem_shared>>, %arg8: memref<!tpu.dma_semaphore, #tpu.memory_space<semaphore_mem>>) attributes {dimension_semantics = [#tpu.dimension_semantics<core_parallel>, #tpu.dimension_semantics<subcore_parallel>], iteration_bounds = array<i64: 1, 16>, scalar_prefetch = 0 : i64, scratch_operands = 5 : i64, tpu.core_type = #tpu.core_type<sc_vector_subcore>, window_params = [{transform_indices = #map}, {transform_indices = #map1}]} {
    %mul3A = arith.constant 1 : i32
    %mul3A_0 = arith.muli %arg1, %mul3A : i32
    %add3A = arith.addi %mul3A_0, %arg0 : i32
    %dma_start3A = arith.constant 0 : i32
    %dma_start3A_1 = arith.constant 0 : i32
    %dma_start3A_2 = tpu.memref_slice %arg2[%add3A, %dma_start3A, %dma_start3A_1] : memref<16x8x128xi32, #tpu.memory_space<hbm>> -> memref<1x8x128xi32, #tpu.memory_space<hbm>>
    %dma_start3A_3 = tpu.memref_squeeze %dma_start3A_2 : memref<1x8x128xi32, #tpu.memory_space<hbm>> -> memref<8x128xi32, #tpu.memory_space<hbm>>
    %dma_start3A_4 = arith.constant 0 : i32
    %dma_start3A_5 = arith.constant 0 : i32
    %dma_start3A_6 = tpu.memref_slice %arg2[%add3A, %dma_start3A_4, %dma_start3A_5] : memref<16x8x128xi32, #tpu.memory_space<hbm>> -> memref<1x8x128xi32, #tpu.memory_space<hbm>>
    %dma_start3A_7 = tpu.memref_squeeze %dma_start3A_6 : memref<1x8x128xi32, #tpu.memory_space<hbm>> -> memref<8x128xi32, #tpu.memory_space<hbm>>
    tpu.enqueue_dma source(%dma_start3A_7 : memref<8x128xi32, #tpu.memory_space<hbm>>) target(%arg4 : memref<8x128xi32, #tpu.memory_space<vmem>>) target_semaphore(%arg8 : memref<!tpu.dma_semaphore, #tpu.memory_space<semaphore_mem>>)
    %broadcast_in_dim3A = arith.constant 1.000000e+00 : f32
    %broadcast_in_dim3A_8 = vector.broadcast %broadcast_in_dim3A : f32 to vector<16xf32>
    %broadcast_in_dim3A_9 = arith.constant 0.000000e+00 : f32
    %broadcast_in_dim3A_10 = vector.broadcast %broadcast_in_dim3A_9 : f32 to vector<16xf32>
    %scan3A = arith.constant 0 : i32
    %mul3A_11 = arith.constant 16 : i32
    %mul3A_12 = arith.muli %scan3A, %mul3A_11 : i32
    %swap3A = arith.index_cast %mul3A_12 : i32 to index
    %swap3A_13 = tpu.vector_load %arg5[%swap3A] {strides = array<i32>} : memref<128xf32, #tpu.memory_space<vmem>>, vector<16xf32>,
    tpu.vector_store %arg5[%swap3A], %broadcast_in_dim3A_8 {strides = array<i32>} : memref<128xf32, #tpu.memory_space<vmem>>, vector<16xf32>,
    %scan3A_14 = arith.constant 1 : i32
    %mul3A_15 = arith.constant 16 : i32
    %mul3A_16 = arith.muli %scan3A_14, %mul3A_15 : i32
    %swap3A_17 = arith.index_cast %mul3A_16 : i32 to index
    %swap3A_18 = tpu.vector_load %arg5[%swap3A_17] {strides = array<i32>} : memref<128xf32, #tpu.memory_space<vmem>>, vector<16xf32>,
    tpu.vector_store %arg5[%swap3A_17], %broadcast_in_dim3A_8 {strides = array<i32>} : memref<128xf32, #tpu.memory_space<vmem>>, vector<16xf32>,
    %scan3A_19 = arith.constant 2 : i32
    %mul3A_20 = arith.constant 16 : i32
    %mul3A_21 = arith.muli %scan3A_19, %mul3A_20 : i32
    %swap3A_22 = arith.index_cast %mul3A_21 : i32 to index
    %swap3A_23 = tpu.vector_load %arg5[%swap3A_22] {strides = array<i32>} : memref<128xf32, #tpu.memory_space<vmem>>, vector<16xf32>,
    tpu.vector_store %arg5[%swap3A_22], %broadcast_in_dim3A_8 {strides = array<i32>} : memref<128xf32, #tpu.memory_space<vmem>>, vector<16xf32>,
    %scan3A_24 = arith.constant 3 : i32
    %mul3A_25 = arith.constant 16 : i32
    %mul3A_26 = arith.muli %scan3A_24, %mul3A_25 : i32
    %swap3A_27 = arith.index_cast %mul3A_26 : i32 to index
    %swap3A_28 = tpu.vector_load %arg5[%swap3A_27] {strides = array<i32>} : memref<128xf32, #tpu.memory_space<vmem>>, vector<16xf32>,
    tpu.vector_store %arg5[%swap3A_27], %broadcast_in_dim3A_8 {strides = array<i32>} : memref<128xf32, #tpu.memory_space<vmem>>, vector<16xf32>,
    %scan3A_29 = arith.constant 4 : i32
    %mul3A_30 = arith.constant 16 : i32
    %mul3A_31 = arith.muli %scan3A_29, %mul3A_30 : i32
    %swap3A_32 = arith.index_cast %mul3A_31 : i32 to index
    %swap3A_33 = tpu.vector_load %arg5[%swap3A_32] {strides = array<i32>} : memref<128xf32, #tpu.memory_space<vmem>>, vector<16xf32>,
    tpu.vector_store %arg5[%swap3A_32], %broadcast_in_dim3A_8 {strides = array<i32>} : memref<128xf32, #tpu.memory_space<vmem>>, vector<16xf32>,
    %scan3A_34 = arith.constant 5 : i32
    %mul3A_35 = arith.constant 16 : i32
    %mul3A_36 = arith.muli %scan3A_34, %mul3A_35 : i32
    %swap3A_37 = arith.index_cast %mul3A_36 : i32 to index
    %swap3A_38 = tpu.vector_load %arg5[%swap3A_37] {strides = array<i32>} : memref<128xf32, #tpu.memory_space<vmem>>, vector<16xf32>,
    tpu.vector_store %arg5[%swap3A_37], %broadcast_in_dim3A_8 {strides = array<i32>} : memref<128xf32, #tpu.memory_space<vmem>>, vector<16xf32>,
    %scan3A_39 = arith.constant 6 : i32
    %mul3A_40 = arith.constant 16 : i32
    %mul3A_41 = arith.muli %scan3A_39, %mul3A_40 : i32
    %swap3A_42 = arith.index_cast %mul3A_41 : i32 to index
    %swap3A_43 = tpu.vector_load %arg5[%swap3A_42] {strides = array<i32>} : memref<128xf32, #tpu.memory_space<vmem>>, vector<16xf32>,
    tpu.vector_store %arg5[%swap3A_42], %broadcast_in_dim3A_8 {strides = array<i32>} : memref<128xf32, #tpu.memory_space<vmem>>, vector<16xf32>,
    %scan3A_44 = arith.constant 7 : i32
    %mul3A_45 = arith.constant 16 : i32
    %mul3A_46 = arith.muli %scan3A_44, %mul3A_45 : i32
    %swap3A_47 = arith.index_cast %mul3A_46 : i32 to index
    %swap3A_48 = tpu.vector_load %arg5[%swap3A_47] {strides = array<i32>} : memref<128xf32, #tpu.memory_space<vmem>>, vector<16xf32>,
    tpu.vector_store %arg5[%swap3A_47], %broadcast_in_dim3A_8 {strides = array<i32>} : memref<128xf32, #tpu.memory_space<vmem>>, vector<16xf32>,
    %scan3A_49 = arith.constant 8 : i32
    %scan3A_50 = arith.constant 0 : i32
    %scan3A_51 = arith.constant 128 : i32
    %scan3A_52 = arith.addi %scan3A_50, %scan3A_51 : i32
    %scan3A_53 = arith.constant 8 : i32
    scf.for %scan3A_165 = %scan3A_50 to %scan3A_52 step %scan3A_53  : i32 {
      %mul3A_166 = arith.constant 16 : i32
      %mul3A_167 = arith.muli %scan3A_165, %mul3A_166 : i32
      %swap3A_168 = arith.index_cast %mul3A_167 : i32 to index
      %swap3A_169 = tpu.vector_load %arg6[%swap3A_168] {strides = array<i32>} : memref<2048xf32, #tpu.memory_space<vmem>>, vector<16xf32>,
      tpu.vector_store %arg6[%swap3A_168], %broadcast_in_dim3A_10 {strides = array<i32>} : memref<2048xf32, #tpu.memory_space<vmem>>, vector<16xf32>,
      %scan3A_170 = arith.constant 1 : i32
      %scan3A_171 = arith.addi %scan3A_165, %scan3A_170 : i32
      %mul3A_172 = arith.constant 16 : i32
      %mul3A_173 = arith.muli %scan3A_171, %mul3A_172 : i32
      %swap3A_174 = arith.index_cast %mul3A_173 : i32 to index
      %swap3A_175 = tpu.vector_load %arg6[%swap3A_174] {strides = array<i32>} : memref<2048xf32, #tpu.memory_space<vmem>>, vector<16xf32>,
      tpu.vector_store %arg6[%swap3A_174], %broadcast_in_dim3A_10 {strides = array<i32>} : memref<2048xf32, #tpu.memory_space<vmem>>, vector<16xf32>,
      %scan3A_176 = arith.constant 2 : i32
      %scan3A_177 = arith.addi %scan3A_165, %scan3A_176 : i32
      %mul3A_178 = arith.constant 16 : i32
      %mul3A_179 = arith.muli %scan3A_177, %mul3A_178 : i32
      %swap3A_180 = arith.index_cast %mul3A_179 : i32 to index
      %swap3A_181 = tpu.vector_load %arg6[%swap3A_180] {strides = array<i32>} : memref<2048xf32, #tpu.memory_space<vmem>>, vector<16xf32>,
      tpu.vector_store %arg6[%swap3A_180], %broadcast_in_dim3A_10 {strides = array<i32>} : memref<2048xf32, #tpu.memory_space<vmem>>, vector<16xf32>,
      %scan3A_182 = arith.constant 3 : i32
      %scan3A_183 = arith.addi %scan3A_165, %scan3A_182 : i32
      %mul3A_184 = arith.constant 16 : i32
      %mul3A_185 = arith.muli %scan3A_183, %mul3A_184 : i32
      %swap3A_186 = arith.index_cast %mul3A_185 : i32 to index
      %swap3A_187 = tpu.vector_load %arg6[%swap3A_186] {strides = array<i32>} : memref<2048xf32, #tpu.memory_space<vmem>>, vector<16xf32>,
      tpu.vector_store %arg6[%swap3A_186], %broadcast_in_dim3A_10 {strides = array<i32>} : memref<2048xf32, #tpu.memory_space<vmem>>, vector<16xf32>,
      %scan3A_188 = arith.constant 4 : i32
      %scan3A_189 = arith.addi %scan3A_165, %scan3A_188 : i32
      %mul3A_190 = arith.constant 16 : i32
      %mul3A_191 = arith.muli %scan3A_189, %mul3A_190 : i32
      %swap3A_192 = arith.index_cast %mul3A_191 : i32 to index
      %swap3A_193 = tpu.vector_load %arg6[%swap3A_192] {strides = array<i32>} : memref<2048xf32, #tpu.memory_space<vmem>>, vector<16xf32>,
      tpu.vector_store %arg6[%swap3A_192], %broadcast_in_dim3A_10 {strides = array<i32>} : memref<2048xf32, #tpu.memory_space<vmem>>, vector<16xf32>,
      %scan3A_194 = arith.constant 5 : i32
      %scan3A_195 = arith.addi %scan3A_165, %scan3A_194 : i32
      %mul3A_196 = arith.constant 16 : i32
      %mul3A_197 = arith.muli %scan3A_195, %mul3A_196 : i32
      %swap3A_198 = arith.index_cast %mul3A_197 : i32 to index
      %swap3A_199 = tpu.vector_load %arg6[%swap3A_198] {strides = array<i32>} : memref<2048xf32, #tpu.memory_space<vmem>>, vector<16xf32>,
      tpu.vector_store %arg6[%swap3A_198], %broadcast_in_dim3A_10 {strides = array<i32>} : memref<2048xf32, #tpu.memory_space<vmem>>, vector<16xf32>,
      %scan3A_200 = arith.constant 6 : i32
      %scan3A_201 = arith.addi %scan3A_165, %scan3A_200 : i32
      %mul3A_202 = arith.constant 16 : i32
      %mul3A_203 = arith.muli %scan3A_201, %mul3A_202 : i32
      %swap3A_204 = arith.index_cast %mul3A_203 : i32 to index
      %swap3A_205 = tpu.vector_load %arg6[%swap3A_204] {strides = array<i32>} : memref<2048xf32, #tpu.memory_space<vmem>>, vector<16xf32>,
      tpu.vector_store %arg6[%swap3A_204], %broadcast_in_dim3A_10 {strides = array<i32>} : memref<2048xf32, #tpu.memory_space<vmem>>, vector<16xf32>,
      %scan3A_206 = arith.constant 7 : i32
      %scan3A_207 = arith.addi %scan3A_165, %scan3A_206 : i32
      %mul3A_208 = arith.constant 16 : i32
      %mul3A_209 = arith.muli %scan3A_207, %mul3A_208 : i32
      %swap3A_210 = arith.index_cast %mul3A_209 : i32 to index
      %swap3A_211 = tpu.vector_load %arg6[%swap3A_210] {strides = array<i32>} : memref<2048xf32, #tpu.memory_space<vmem>>, vector<16xf32>,
      tpu.vector_store %arg6[%swap3A_210], %broadcast_in_dim3A_10 {strides = array<i32>} : memref<2048xf32, #tpu.memory_space<vmem>>, vector<16xf32>,
    }
    %scan3A_54 = arith.constant 128 : i32
    %mul3A_55 = arith.constant 2048 : i32
    %mul3A_56 = arith.muli %arg1, %mul3A_55 : i32
    "tpu.region"() ({
      %run_scoped3A = tpu.sem_alloc : memref<!tpu.dma_semaphore, #tpu.memory_space<semaphore_mem>>
      %dma_start3A_165 = tpu.memref_slice %arg7[%mul3A_56] : memref<32768xf32, #tpu.memory_space<vmem_shared>> -> memref<2048xf32, #tpu.memory_space<vmem_shared>>
      %dma_start3A_166 = tpu.memref_slice %arg7[%mul3A_56] : memref<32768xf32, #tpu.memory_space<vmem_shared>> -> memref<2048xf32, #tpu.memory_space<vmem_shared>>
      tpu.enqueue_dma source(%arg6 : memref<2048xf32, #tpu.memory_space<vmem>>) target(%dma_start3A_166 : memref<2048xf32, #tpu.memory_space<vmem_shared>>) target_semaphore(%run_scoped3A : memref<!tpu.dma_semaphore, #tpu.memory_space<semaphore_mem>>)
      %dma_wait3A_167 = tpu.memref_slice %arg7[%mul3A_56] : memref<32768xf32, #tpu.memory_space<vmem_shared>> -> memref<2048xf32, #tpu.memory_space<vmem_shared>>
      %dma_wait3A_168 = tpu.memref_slice %arg7[%mul3A_56] : memref<32768xf32, #tpu.memory_space<vmem_shared>> -> memref<2048xf32, #tpu.memory_space<vmem_shared>>
      tpu.wait_dma2 semaphore(%run_scoped3A : memref<!tpu.dma_semaphore, #tpu.memory_space<semaphore_mem>>) src(%arg6 : memref<2048xf32, #tpu.memory_space<vmem>>) dst(%dma_wait3A_168 : memref<2048xf32, #tpu.memory_space<vmem_shared>>)
      tpu.yield
    }) : () -> ()
    %dma_wait3A = arith.constant 0 : i32
    %dma_wait3A_57 = arith.constant 0 : i32
    %dma_wait3A_58 = tpu.memref_slice %arg2[%add3A, %dma_wait3A, %dma_wait3A_57] : memref<16x8x128xi32, #tpu.memory_space<hbm>> -> memref<1x8x128xi32, #tpu.memory_space<hbm>>
    %dma_wait3A_59 = tpu.memref_squeeze %dma_wait3A_58 : memref<1x8x128xi32, #tpu.memory_space<hbm>> -> memref<8x128xi32, #tpu.memory_space<hbm>>
    %dma_wait3A_60 = arith.constant 0 : i32
    %dma_wait3A_61 = arith.constant 0 : i32
    %dma_wait3A_62 = tpu.memref_slice %arg2[%add3A, %dma_wait3A_60, %dma_wait3A_61] : memref<16x8x128xi32, #tpu.memory_space<hbm>> -> memref<1x8x128xi32, #tpu.memory_space<hbm>>
    %dma_wait3A_63 = tpu.memref_squeeze %dma_wait3A_62 : memref<1x8x128xi32, #tpu.memory_space<hbm>> -> memref<8x128xi32, #tpu.memory_space<hbm>>
    tpu.wait_dma2 semaphore(%arg8 : memref<!tpu.dma_semaphore, #tpu.memory_space<semaphore_mem>>) src(%dma_wait3A_63 : memref<8x128xi32, #tpu.memory_space<hbm>>) dst(%arg4 : memref<8x128xi32, #tpu.memory_space<vmem>>)
    %barrier3A = arith.constant 0 : index
    tpu.barrier barrier_id(%barrier3A)
    %dma_start3A_64 = arith.constant 0 : i32
    %dma_start3A_65 = arith.constant 0 : i32
    %dma_start3A_66 = tpu.memref_slice %arg4[%dma_start3A_64, %dma_start3A_65] : memref<8x128xi32, #tpu.memory_space<vmem>> -> memref<1x128xi32, #tpu.memory_space<vmem>>
    %dma_start3A_67 = tpu.memref_squeeze %dma_start3A_66 : memref<1x128xi32, #tpu.memory_space<vmem>> -> memref<128xi32, #tpu.memory_space<vmem>>
    %dma_start3A_68 = arith.constant 0 : i32
    %dma_start3A_69 = tpu.memref_slice %arg7[%dma_start3A_68] : memref<32768xf32, #tpu.memory_space<vmem_shared>> -> memref<32768xf32, #tpu.memory_space<vmem_shared>>
    tpu.enqueue_indirect_dma source(%arg5 : memref<128xf32, #tpu.memory_space<vmem>>) target(%dma_start3A_69 : memref<32768xf32, #tpu.memory_space<vmem_shared>>) offsets(%dma_start3A_67 : memref<128xi32, #tpu.memory_space<vmem>>) semaphore(%arg8 : memref<!tpu.dma_semaphore, #tpu.memory_space<semaphore_mem>>) {add = true}
    %dma_start3A_70 = arith.constant 1 : i32
    %dma_start3A_71 = arith.constant 0 : i32
    %dma_start3A_72 = tpu.memref_slice %arg4[%dma_start3A_70, %dma_start3A_71] : memref<8x128xi32, #tpu.memory_space<vmem>> -> memref<1x128xi32, #tpu.memory_space<vmem>>
    %dma_start3A_73 = tpu.memref_squeeze %dma_start3A_72 : memref<1x128xi32, #tpu.memory_space<vmem>> -> memref<128xi32, #tpu.memory_space<vmem>>
    %dma_start3A_74 = arith.constant 0 : i32
    %dma_start3A_75 = tpu.memref_slice %arg7[%dma_start3A_74] : memref<32768xf32, #tpu.memory_space<vmem_shared>> -> memref<32768xf32, #tpu.memory_space<vmem_shared>>
    tpu.enqueue_indirect_dma source(%arg5 : memref<128xf32, #tpu.memory_space<vmem>>) target(%dma_start3A_75 : memref<32768xf32, #tpu.memory_space<vmem_shared>>) offsets(%dma_start3A_73 : memref<128xi32, #tpu.memory_space<vmem>>) semaphore(%arg8 : memref<!tpu.dma_semaphore, #tpu.memory_space<semaphore_mem>>) {add = true}
    %dma_start3A_76 = arith.constant 2 : i32
    %dma_start3A_77 = arith.constant 0 : i32
    %dma_start3A_78 = tpu.memref_slice %arg4[%dma_start3A_76, %dma_start3A_77] : memref<8x128xi32, #tpu.memory_space<vmem>> -> memref<1x128xi32, #tpu.memory_space<vmem>>
    %dma_start3A_79 = tpu.memref_squeeze %dma_start3A_78 : memref<1x128xi32, #tpu.memory_space<vmem>> -> memref<128xi32, #tpu.memory_space<vmem>>
    %dma_start3A_80 = arith.constant 0 : i32
    %dma_start3A_81 = tpu.memref_slice %arg7[%dma_start3A_80] : memref<32768xf32, #tpu.memory_space<vmem_shared>> -> memref<32768xf32, #tpu.memory_space<vmem_shared>>
    tpu.enqueue_indirect_dma source(%arg5 : memref<128xf32, #tpu.memory_space<vmem>>) target(%dma_start3A_81 : memref<32768xf32, #tpu.memory_space<vmem_shared>>) offsets(%dma_start3A_79 : memref<128xi32, #tpu.memory_space<vmem>>) semaphore(%arg8 : memref<!tpu.dma_semaphore, #tpu.memory_space<semaphore_mem>>) {add = true}
    %dma_start3A_82 = arith.constant 3 : i32
    %dma_start3A_83 = arith.constant 0 : i32
    %dma_start3A_84 = tpu.memref_slice %arg4[%dma_start3A_82, %dma_start3A_83] : memref<8x128xi32, #tpu.memory_space<vmem>> -> memref<1x128xi32, #tpu.memory_space<vmem>>
    %dma_start3A_85 = tpu.memref_squeeze %dma_start3A_84 : memref<1x128xi32, #tpu.memory_space<vmem>> -> memref<128xi32, #tpu.memory_space<vmem>>
    %dma_start3A_86 = arith.constant 0 : i32
    %dma_start3A_87 = tpu.memref_slice %arg7[%dma_start3A_86] : memref<32768xf32, #tpu.memory_space<vmem_shared>> -> memref<32768xf32, #tpu.memory_space<vmem_shared>>
    tpu.enqueue_indirect_dma source(%arg5 : memref<128xf32, #tpu.memory_space<vmem>>) target(%dma_start3A_87 : memref<32768xf32, #tpu.memory_space<vmem_shared>>) offsets(%dma_start3A_85 : memref<128xi32, #tpu.memory_space<vmem>>) semaphore(%arg8 : memref<!tpu.dma_semaphore, #tpu.memory_space<semaphore_mem>>) {add = true}
    %dma_start3A_88 = arith.constant 4 : i32
    %dma_start3A_89 = arith.constant 0 : i32
    %dma_start3A_90 = tpu.memref_slice %arg4[%dma_start3A_88, %dma_start3A_89] : memref<8x128xi32, #tpu.memory_space<vmem>> -> memref<1x128xi32, #tpu.memory_space<vmem>>
    %dma_start3A_91 = tpu.memref_squeeze %dma_start3A_90 : memref<1x128xi32, #tpu.memory_space<vmem>> -> memref<128xi32, #tpu.memory_space<vmem>>
    %dma_start3A_92 = arith.constant 0 : i32
    %dma_start3A_93 = tpu.memref_slice %arg7[%dma_start3A_92] : memref<32768xf32, #tpu.memory_space<vmem_shared>> -> memref<32768xf32, #tpu.memory_space<vmem_shared>>
    tpu.enqueue_indirect_dma source(%arg5 : memref<128xf32, #tpu.memory_space<vmem>>) target(%dma_start3A_93 : memref<32768xf32, #tpu.memory_space<vmem_shared>>) offsets(%dma_start3A_91 : memref<128xi32, #tpu.memory_space<vmem>>) semaphore(%arg8 : memref<!tpu.dma_semaphore, #tpu.memory_space<semaphore_mem>>) {add = true}
    %dma_start3A_94 = arith.constant 5 : i32
    %dma_start3A_95 = arith.constant 0 : i32
    %dma_start3A_96 = tpu.memref_slice %arg4[%dma_start3A_94, %dma_start3A_95] : memref<8x128xi32, #tpu.memory_space<vmem>> -> memref<1x128xi32, #tpu.memory_space<vmem>>
    %dma_start3A_97 = tpu.memref_squeeze %dma_start3A_96 : memref<1x128xi32, #tpu.memory_space<vmem>> -> memref<128xi32, #tpu.memory_space<vmem>>
    %dma_start3A_98 = arith.constant 0 : i32
    %dma_start3A_99 = tpu.memref_slice %arg7[%dma_start3A_98] : memref<32768xf32, #tpu.memory_space<vmem_shared>> -> memref<32768xf32, #tpu.memory_space<vmem_shared>>
    tpu.enqueue_indirect_dma source(%arg5 : memref<128xf32, #tpu.memory_space<vmem>>) target(%dma_start3A_99 : memref<32768xf32, #tpu.memory_space<vmem_shared>>) offsets(%dma_start3A_97 : memref<128xi32, #tpu.memory_space<vmem>>) semaphore(%arg8 : memref<!tpu.dma_semaphore, #tpu.memory_space<semaphore_mem>>) {add = true}
    %dma_start3A_100 = arith.constant 6 : i32
    %dma_start3A_101 = arith.constant 0 : i32
    %dma_start3A_102 = tpu.memref_slice %arg4[%dma_start3A_100, %dma_start3A_101] : memref<8x128xi32, #tpu.memory_space<vmem>> -> memref<1x128xi32, #tpu.memory_space<vmem>>
    %dma_start3A_103 = tpu.memref_squeeze %dma_start3A_102 : memref<1x128xi32, #tpu.memory_space<vmem>> -> memref<128xi32, #tpu.memory_space<vmem>>
    %dma_start3A_104 = arith.constant 0 : i32
    %dma_start3A_105 = tpu.memref_slice %arg7[%dma_start3A_104] : memref<32768xf32, #tpu.memory_space<vmem_shared>> -> memref<32768xf32, #tpu.memory_space<vmem_shared>>
    tpu.enqueue_indirect_dma source(%arg5 : memref<128xf32, #tpu.memory_space<vmem>>) target(%dma_start3A_105 : memref<32768xf32, #tpu.memory_space<vmem_shared>>) offsets(%dma_start3A_103 : memref<128xi32, #tpu.memory_space<vmem>>) semaphore(%arg8 : memref<!tpu.dma_semaphore, #tpu.memory_space<semaphore_mem>>) {add = true}
    %dma_start3A_106 = arith.constant 7 : i32
    %dma_start3A_107 = arith.constant 0 : i32
    %dma_start3A_108 = tpu.memref_slice %arg4[%dma_start3A_106, %dma_start3A_107] : memref<8x128xi32, #tpu.memory_space<vmem>> -> memref<1x128xi32, #tpu.memory_space<vmem>>
    %dma_start3A_109 = tpu.memref_squeeze %dma_start3A_108 : memref<1x128xi32, #tpu.memory_space<vmem>> -> memref<128xi32, #tpu.memory_space<vmem>>
    %dma_start3A_110 = arith.constant 0 : i32
    %dma_start3A_111 = tpu.memref_slice %arg7[%dma_start3A_110] : memref<32768xf32, #tpu.memory_space<vmem_shared>> -> memref<32768xf32, #tpu.memory_space<vmem_shared>>
    tpu.enqueue_indirect_dma source(%arg5 : memref<128xf32, #tpu.memory_space<vmem>>) target(%dma_start3A_111 : memref<32768xf32, #tpu.memory_space<vmem_shared>>) offsets(%dma_start3A_109 : memref<128xi32, #tpu.memory_space<vmem>>) semaphore(%arg8 : memref<!tpu.dma_semaphore, #tpu.memory_space<semaphore_mem>>) {add = true}
    %dma_wait3A_112 = arith.constant 0 : i32
    %dma_wait3A_113 = arith.constant 0 : i32
    %dma_wait3A_114 = tpu.memref_slice %arg4[%dma_wait3A_112, %dma_wait3A_113] : memref<8x128xi32, #tpu.memory_space<vmem>> -> memref<1x128xi32, #tpu.memory_space<vmem>>
    %dma_wait3A_115 = tpu.memref_squeeze %dma_wait3A_114 : memref<1x128xi32, #tpu.memory_space<vmem>> -> memref<128xi32, #tpu.memory_space<vmem>>
    %dma_wait3A_116 = arith.constant 0 : i32
    %dma_wait3A_117 = tpu.memref_slice %arg7[%dma_wait3A_116] : memref<32768xf32, #tpu.memory_space<vmem_shared>> -> memref<32768xf32, #tpu.memory_space<vmem_shared>>
    tpu.wait_indirect_dma semaphore(%arg8 : memref<!tpu.dma_semaphore, #tpu.memory_space<semaphore_mem>>) src(%arg5 : memref<128xf32, #tpu.memory_space<vmem>>) dst(%dma_wait3A_117 : memref<32768xf32, #tpu.memory_space<vmem_shared>>)
    %dma_wait3A_118 = arith.constant 1 : i32
    %dma_wait3A_119 = arith.constant 0 : i32
    %dma_wait3A_120 = tpu.memref_slice %arg4[%dma_wait3A_118, %dma_wait3A_119] : memref<8x128xi32, #tpu.memory_space<vmem>> -> memref<1x128xi32, #tpu.memory_space<vmem>>
    %dma_wait3A_121 = tpu.memref_squeeze %dma_wait3A_120 : memref<1x128xi32, #tpu.memory_space<vmem>> -> memref<128xi32, #tpu.memory_space<vmem>>
    %dma_wait3A_122 = arith.constant 0 : i32
    %dma_wait3A_123 = tpu.memref_slice %arg7[%dma_wait3A_122] : memref<32768xf32, #tpu.memory_space<vmem_shared>> -> memref<32768xf32, #tpu.memory_space<vmem_shared>>
    tpu.wait_indirect_dma semaphore(%arg8 : memref<!tpu.dma_semaphore, #tpu.memory_space<semaphore_mem>>) src(%arg5 : memref<128xf32, #tpu.memory_space<vmem>>) dst(%dma_wait3A_123 : memref<32768xf32, #tpu.memory_space<vmem_shared>>)
    %dma_wait3A_124 = arith.constant 2 : i32
    %dma_wait3A_125 = arith.constant 0 : i32
    %dma_wait3A_126 = tpu.memref_slice %arg4[%dma_wait3A_124, %dma_wait3A_125] : memref<8x128xi32, #tpu.memory_space<vmem>> -> memref<1x128xi32, #tpu.memory_space<vmem>>
    %dma_wait3A_127 = tpu.memref_squeeze %dma_wait3A_126 : memref<1x128xi32, #tpu.memory_space<vmem>> -> memref<128xi32, #tpu.memory_space<vmem>>
    %dma_wait3A_128 = arith.constant 0 : i32
    %dma_wait3A_129 = tpu.memref_slice %arg7[%dma_wait3A_128] : memref<32768xf32, #tpu.memory_space<vmem_shared>> -> memref<32768xf32, #tpu.memory_space<vmem_shared>>
    tpu.wait_indirect_dma semaphore(%arg8 : memref<!tpu.dma_semaphore, #tpu.memory_space<semaphore_mem>>) src(%arg5 : memref<128xf32, #tpu.memory_space<vmem>>) dst(%dma_wait3A_129 : memref<32768xf32, #tpu.memory_space<vmem_shared>>)
    %dma_wait3A_130 = arith.constant 3 : i32
    %dma_wait3A_131 = arith.constant 0 : i32
    %dma_wait3A_132 = tpu.memref_slice %arg4[%dma_wait3A_130, %dma_wait3A_131] : memref<8x128xi32, #tpu.memory_space<vmem>> -> memref<1x128xi32, #tpu.memory_space<vmem>>
    %dma_wait3A_133 = tpu.memref_squeeze %dma_wait3A_132 : memref<1x128xi32, #tpu.memory_space<vmem>> -> memref<128xi32, #tpu.memory_space<vmem>>
    %dma_wait3A_134 = arith.constant 0 : i32
    %dma_wait3A_135 = tpu.memref_slice %arg7[%dma_wait3A_134] : memref<32768xf32, #tpu.memory_space<vmem_shared>> -> memref<32768xf32, #tpu.memory_space<vmem_shared>>
    tpu.wait_indirect_dma semaphore(%arg8 : memref<!tpu.dma_semaphore, #tpu.memory_space<semaphore_mem>>) src(%arg5 : memref<128xf32, #tpu.memory_space<vmem>>) dst(%dma_wait3A_135 : memref<32768xf32, #tpu.memory_space<vmem_shared>>)
    %dma_wait3A_136 = arith.constant 4 : i32
    %dma_wait3A_137 = arith.constant 0 : i32
    %dma_wait3A_138 = tpu.memref_slice %arg4[%dma_wait3A_136, %dma_wait3A_137] : memref<8x128xi32, #tpu.memory_space<vmem>> -> memref<1x128xi32, #tpu.memory_space<vmem>>
    %dma_wait3A_139 = tpu.memref_squeeze %dma_wait3A_138 : memref<1x128xi32, #tpu.memory_space<vmem>> -> memref<128xi32, #tpu.memory_space<vmem>>
    %dma_wait3A_140 = arith.constant 0 : i32
    %dma_wait3A_141 = tpu.memref_slice %arg7[%dma_wait3A_140] : memref<32768xf32, #tpu.memory_space<vmem_shared>> -> memref<32768xf32, #tpu.memory_space<vmem_shared>>
    tpu.wait_indirect_dma semaphore(%arg8 : memref<!tpu.dma_semaphore, #tpu.memory_space<semaphore_mem>>) src(%arg5 : memref<128xf32, #tpu.memory_space<vmem>>) dst(%dma_wait3A_141 : memref<32768xf32, #tpu.memory_space<vmem_shared>>)
    %dma_wait3A_142 = arith.constant 5 : i32
    %dma_wait3A_143 = arith.constant 0 : i32
    %dma_wait3A_144 = tpu.memref_slice %arg4[%dma_wait3A_142, %dma_wait3A_143] : memref<8x128xi32, #tpu.memory_space<vmem>> -> memref<1x128xi32, #tpu.memory_space<vmem>>
    %dma_wait3A_145 = tpu.memref_squeeze %dma_wait3A_144 : memref<1x128xi32, #tpu.memory_space<vmem>> -> memref<128xi32, #tpu.memory_space<vmem>>
    %dma_wait3A_146 = arith.constant 0 : i32
    %dma_wait3A_147 = tpu.memref_slice %arg7[%dma_wait3A_146] : memref<32768xf32, #tpu.memory_space<vmem_shared>> -> memref<32768xf32, #tpu.memory_space<vmem_shared>>
    tpu.wait_indirect_dma semaphore(%arg8 : memref<!tpu.dma_semaphore, #tpu.memory_space<semaphore_mem>>) src(%arg5 : memref<128xf32, #tpu.memory_space<vmem>>) dst(%dma_wait3A_147 : memref<32768xf32, #tpu.memory_space<vmem_shared>>)
    %dma_wait3A_148 = arith.constant 6 : i32
    %dma_wait3A_149 = arith.constant 0 : i32
    %dma_wait3A_150 = tpu.memref_slice %arg4[%dma_wait3A_148, %dma_wait3A_149] : memref<8x128xi32, #tpu.memory_space<vmem>> -> memref<1x128xi32, #tpu.memory_space<vmem>>
    %dma_wait3A_151 = tpu.memref_squeeze %dma_wait3A_150 : memref<1x128xi32, #tpu.memory_space<vmem>> -> memref<128xi32, #tpu.memory_space<vmem>>
    %dma_wait3A_152 = arith.constant 0 : i32
    %dma_wait3A_153 = tpu.memref_slice %arg7[%dma_wait3A_152] : memref<32768xf32, #tpu.memory_space<vmem_shared>> -> memref<32768xf32, #tpu.memory_space<vmem_shared>>
    tpu.wait_indirect_dma semaphore(%arg8 : memref<!tpu.dma_semaphore, #tpu.memory_space<semaphore_mem>>) src(%arg5 : memref<128xf32, #tpu.memory_space<vmem>>) dst(%dma_wait3A_153 : memref<32768xf32, #tpu.memory_space<vmem_shared>>)
    %dma_wait3A_154 = arith.constant 7 : i32
    %dma_wait3A_155 = arith.constant 0 : i32
    %dma_wait3A_156 = tpu.memref_slice %arg4[%dma_wait3A_154, %dma_wait3A_155] : memref<8x128xi32, #tpu.memory_space<vmem>> -> memref<1x128xi32, #tpu.memory_space<vmem>>
    %dma_wait3A_157 = tpu.memref_squeeze %dma_wait3A_156 : memref<1x128xi32, #tpu.memory_space<vmem>> -> memref<128xi32, #tpu.memory_space<vmem>>
    %dma_wait3A_158 = arith.constant 0 : i32
    %dma_wait3A_159 = tpu.memref_slice %arg7[%dma_wait3A_158] : memref<32768xf32, #tpu.memory_space<vmem_shared>> -> memref<32768xf32, #tpu.memory_space<vmem_shared>>
    tpu.wait_indirect_dma semaphore(%arg8 : memref<!tpu.dma_semaphore, #tpu.memory_space<semaphore_mem>>) src(%arg5 : memref<128xf32, #tpu.memory_space<vmem>>) dst(%dma_wait3A_159 : memref<32768xf32, #tpu.memory_space<vmem_shared>>)
    %barrier3A_160 = arith.constant 0 : index
    tpu.barrier barrier_id(%barrier3A_160)
    %mul3A_161 = arith.constant 2048 : i32
    %mul3A_162 = arith.muli %arg1, %mul3A_161 : i32
    %mul3A_163 = arith.constant 2048 : i32
    %mul3A_164 = arith.muli %arg1, %mul3A_163 : i32
    "tpu.region"() ({
      %run_scoped3A = tpu.sem_alloc : memref<!tpu.dma_semaphore, #tpu.memory_space<semaphore_mem>>
      %dma_start3A_165 = tpu.memref_slice %arg3[%arg0, %mul3A_164] : memref<1x32768xf32, #tpu.memory_space<hbm>> -> memref<1x2048xf32, #tpu.memory_space<hbm>>
      %dma_start3A_166 = tpu.memref_squeeze %dma_start3A_165 : memref<1x2048xf32, #tpu.memory_space<hbm>> -> memref<2048xf32, #tpu.memory_space<hbm>>
      %dma_start3A_167 = tpu.memref_slice %arg7[%mul3A_162] : memref<32768xf32, #tpu.memory_space<vmem_shared>> -> memref<2048xf32, #tpu.memory_space<vmem_shared>>
      tpu.enqueue_dma source(%dma_start3A_167 : memref<2048xf32, #tpu.memory_space<vmem_shared>>) target(%dma_start3A_166 : memref<2048xf32, #tpu.memory_space<hbm>>) target_semaphore(%run_scoped3A : memref<!tpu.dma_semaphore, #tpu.memory_space<semaphore_mem>>)
      %dma_wait3A_168 = tpu.memref_slice %arg3[%arg0, %mul3A_164] : memref<1x32768xf32, #tpu.memory_space<hbm>> -> memref<1x2048xf32, #tpu.memory_space<hbm>>
      %dma_wait3A_169 = tpu.memref_squeeze %dma_wait3A_168 : memref<1x2048xf32, #tpu.memory_space<hbm>> -> memref<2048xf32, #tpu.memory_space<hbm>>
      %dma_wait3A_170 = tpu.memref_slice %arg7[%mul3A_162] : memref<32768xf32, #tpu.memory_space<vmem_shared>> -> memref<2048xf32, #tpu.memory_space<vmem_shared>>
      tpu.wait_dma2 semaphore(%run_scoped3A : memref<!tpu.dma_semaphore, #tpu.memory_space<semaphore_mem>>) src(%dma_wait3A_170 : memref<2048xf32, #tpu.memory_space<vmem_shared>>) dst(%dma_wait3A_169 : memref<2048xf32, #tpu.memory_space<hbm>>)
      tpu.yield
    }) : () -> ()
    return
  }
}

module attributes {stable_mosaic.version = 14 : i64} {
  func.func @_mul_body(%arg0: i32, %arg1: memref<64x32768xf32, #tpu.memory_space<vmem>>, %arg2: memref<1x32768xf32, #tpu.memory_space<vmem>>, %arg3: memref<64x32768xf32, #tpu.memory_space<vmem>>, %arg4: memref<1x32768xf32, #tpu.memory_space<vmem>>) attributes {dimension_semantics = [#tpu.dimension_semantics<arbitrary>], iteration_bounds = array<i64: 2>, scalar_prefetch = 0 : i64, scratch_operands = 1 : i64, tpu.core_type = #tpu.core_type<tc>, window_params = [{transform_indices = @transform_0, window_bounds = array<i64: 64, 32768>}, {pipeline_mode = #tpu.pipeline_mode<synchronous>, transform_indices = @transform_1, window_bounds = array<i64: 1, 32768>}, {transform_indices = @transform_2, window_bounds = array<i64: 64, 32768>}]} {
    %eq3A = arith.constant 0 : i32
    %eq3A_0 = arith.cmpi eq, %arg0, %eq3A : i32
    %convert_element_type3A = arith.extui %eq3A_0 : i1 to i32
    %cond3A = arith.constant 0 : i32
    %cond3A_1 = arith.cmpi ne, %convert_element_type3A, %cond3A : i32
    scf.if %cond3A_1 {
      %get3A_10 = arith.constant 0 : index
      %get3A_11 = arith.constant 0 : index
      %get3A_12 = vector.load %arg2[%get3A_10, %get3A_11] : memref<1x32768xf32, #tpu.memory_space<vmem>>, vector<1x32768xf32>
      %get3A_13 = vector.shape_cast %get3A_12 : vector<1x32768xf32> to vector<32768xf32>
      %min3A = arith.constant 1.000000e+00 : f32
      %min3A_14 = vector.broadcast %min3A : f32 to vector<32768xf32>
      %min3A_15 = arith.minimumf %get3A_13, %min3A_14 : vector<32768xf32>
      %broadcast_in_dim3A = vector.shape_cast %min3A_15 : vector<32768xf32> to vector<1x32768xf32>
      %swap3A_16 = arith.constant 0 : index
      %swap3A_17 = arith.constant 0 : index
      %swap3A_18 = vector.load %arg4[%swap3A_16, %swap3A_17] : memref<1x32768xf32, #tpu.memory_space<vmem>>, vector<1x32768xf32>
      tpu.vector_store %arg4[%swap3A_16, %swap3A_17], %broadcast_in_dim3A {strides = array<i32>} : memref<1x32768xf32, #tpu.memory_space<vmem>>, vector<1x32768xf32>,
    } else {
    }
    %get3A = arith.constant 0 : index
    %get3A_2 = arith.constant 0 : index
    %get3A_3 = vector.load %arg1[%get3A, %get3A_2] : memref<64x32768xf32, #tpu.memory_space<vmem>>, vector<64x32768xf32>
    %get3A_4 = arith.constant 0 : index
    %get3A_5 = arith.constant 0 : index
    %get3A_6 = vector.load %arg4[%get3A_4, %get3A_5] : memref<1x32768xf32, #tpu.memory_space<vmem>>, vector<1x32768xf32>
    %mul3A = vector.broadcast %get3A_6 : vector<1x32768xf32> to vector<64x32768xf32>
    %mul3A_7 = arith.mulf %get3A_3, %mul3A : vector<64x32768xf32>
    %swap3A = arith.constant 0 : index
    %swap3A_8 = arith.constant 0 : index
    %swap3A_9 = vector.load %arg3[%swap3A, %swap3A_8] : memref<64x32768xf32, #tpu.memory_space<vmem>>, vector<64x32768xf32>
    tpu.vector_store %arg3[%swap3A, %swap3A_8], %mul3A_7 {strides = array<i32>} : memref<64x32768xf32, #tpu.memory_space<vmem>>, vector<64x32768xf32>,
    return
  }
  func.func @transform_0(%arg0: i32) -> (i32, i32) {
    %c0_i32 = arith.constant 0 : i32
    %c0_i32_0 = arith.constant 0 : i32
    return %arg0, %c0_i32 : i32, i32
  }
  func.func @transform_1(%arg0: i32) -> (i32, i32) {
    %c0_i32 = arith.constant 0 : i32
    %c0_i32_0 = arith.constant 0 : i32
    %c0_i32_1 = arith.constant 0 : i32
    return %c0_i32, %c0_i32_0 : i32, i32
  }
  func.func @transform_2(%arg0: i32) -> (i32, i32) {
    %c0_i32 = arith.constant 0 : i32
    %c0_i32_0 = arith.constant 0 : i32
    return %arg0, %c0_i32 : i32, i32
  }
}

</mosaic_0001>

<sc_bundles>
// kernel: kernel.4.cloned.1.call-start
scs
__scs_entry_jumppad:
0x0: {  	(pc) =	sbr.rel $0x88, $3  }
0x1: {  	(tag) =	ssettag $0x0;
	lr =	simm.s32 $0x1  }
0x2: {  	[smem:$0x3F9F] =	sst lr;
	_ =	strace $0xD0000000  }
0x3: {  	_ = 	snop  }
0x4: {  	_ = 	snop  }
0x5: {  	_ = 	snop  }
0x6: {  	_ = 	snop  }
0x7: {  	_ = 	snop  }
__scs_overlays_trampoline_lowered:
0x8: {  	[smem:$0x3FAE] =	sst s0  }
0x9: {  	[smem:$0x3FAF] =	sst s1  }
0xa: {  	[smem:$0x3FB0] =	sst s2  }
0xb: {  	[smem:$0x3FB1] =	sst s3  }
0xc: {  	[smem:$0x3FB2] =	sst s4  }
0xd: {  	[smem:$0x3FB3] =	sst s5  }
0xe: {  	[smem:$0x3FB4] =	sst s6  }
0xf: {  	[smem:$0x3FB5] =	sst s7  }
0x10: {  	[smem:$0x3FB6] =	sst s8  }
0x11: {  	[smem:$0x3FB7] =	sst s9;
	s0 =	simm.s32 @!p0 $0x0  }
0x12: {  	s1 =	sld [smem:$0x3F9D];
	s0 =	simm.s32 @p0 $0x1  }
0x13: {  	[smem:$0x3FB8] =	sst s0;
	s0 =	simm.s32 @!p1 $0x0  }
0x14: {  	s2 =	sld [smem:$0x3F9C];
	s0 =	simm.s32 @p1 $0x1  }
0x15: {  	[smem:$0x3FB9] =	sst s0;
	s0 =	simm.s32 @!p2 $0x0  }
0x16: {  	s3 =	sld [smem:$0x3FDB];
	s0 =	simm.s32 @p2 $0x1  }
0x17: {  	s4 =	simm.s32 $0x1BF5;
	[smem:$0x3FBB] =	sst s0  }
0x18: {  	s0 =	sld [smem:$0x3F9E];
	_ =	swait.ge [sflag:s4], $0x0  }
0x19: {  	s7 =	sld [smem:$0x3F9F]  }
0x1a: {  	s8 =	sadd.s32 $0xFFFFE003, lr  }
0x1b: {  	s9 =	sadd.s32 $0xFFFFFEF7, lr;
	s5 =	simm.s32 $0xFFFFFFFF;
	p2 =	slt.u32 s8, $0xFFFFF086  }
0x1c: {  	p1 =	slt.u32 s9, $0xF7A;
	s5 =	simm.s32 @!p2 $0x0  }
0x1d: {  	s5 =	simm.s32 @p1 $0x1;
	p0 =	seq.s32 s7, s2  }
0x1e: {  	s7 =	smul.u32 @!p0 $0xF7A, s2;
	p2 =	seq.s32 @!p0 s5, $0x0  }
0x1f: {  	s9 =	smul.u32 $0xF7A, s1;
	s8 =	simm.s32 @!p0 $0x1BF5;
	p2 =	por !p2, p0  }
0x20: {  	[sflag:s8] =	ssyncset.s32 @!p0 $0xFFFFF086;
	s6 =	sadd.s32 @!p0 s3, s7;
	s7 =	simm.s32 @!p0 $0x108  }
0x21: {  	s3 =	sadd.s32 s3, s9;
	s6 =	sadd.s32 @!p0 $0x88, s6;
	s7 =	simm.s32 @p2 $0x1082  }
0x22: {  	[simem:s7], [sflag:s8] =	dma.local @!p0 [hbm:s6], $0xF7A  }
0x23: {  	s9 =	sor.u32 $0xD0000000, s2;
	s6 =	simm.s32 $0x108;
	_ =	swait.ge @!p0 [sflag:s8], $0x0  }
0x24: {  	s3 =	sadd.s32 $0x88, s3;
	s6 =	simm.s32 @!p1 $0x1082;
	[sflag:s4] =	ssyncset.s32 $0xFFFFF086  }
0x25: {  	[simem:s6], [sflag:s4] =	dma.local [hbm:s3], $0xF7A  }
0x26: {  	[smem:$0x3F9F] =	sst s1;
	(tag) =	ssettag s2;
	_ =	strace s9  }
0x27: {  	s1 =	sld [smem:$0x3FAF]  }
0x28: {  	s2 =	sld [smem:$0x3FB0]  }
0x29: {  	s4 =	sld [smem:$0x3FB2]  }
0x2a: {  	p0 =	seq.s32 s5, $0x0;
	s5 =	sld [smem:$0x3FB3]  }
0x2b: {  	s6 =	sld [smem:$0x3FB4]  }
0x2c: {  	s7 =	sld [smem:$0x3FB5]  }
0x2d: {  	s3 =	simm.s32 $0x108;
	s8 =	sld [smem:$0x3FB6]  }
0x2e: {  	s3 =	simm.s32 @!p0 $0x1082;
	s9 =	sld [smem:$0x3FB7]  }
0x2f: {  	lr =	sadd.s32 s0, s3;
	s0 =	sld [smem:$0x3FAE]  }
0x30: {  	s3 =	sld [smem:$0x3FB1]  }
0x31: {  	[smem:$0x3FBA] =	sst s10  }
0x32: {  	s10 =	sld [smem:$0x3FB8];
	_ =	sdelay $0x3  }
0x33: {  	p0 =	seq.s32 s10, $0x1;
	s10 =	sld [smem:$0x3FBA];
	_ =	sdelay $0x3  }
0x34: {  	[smem:$0x3FBA] =	sst s10  }
0x35: {  	s10 =	sld [smem:$0x3FB9];
	_ =	sdelay $0x3  }
0x36: {  	p1 =	seq.s32 s10, $0x1;
	s10 =	sld [smem:$0x3FBA];
	_ =	sdelay $0x3  }
0x37: {  	[smem:$0x3FBA] =	sst s10  }
0x38: {  	s10 =	sld [smem:$0x3FBB]  }
0x39: {  	_ = 	snop;
	(pc) =	sbr.ind lr, $3  }
0x3a: {  	_ = 	snop  }
0x3b: {  	_ = 	snop  }
0x3c: {  	p2 =	seq.s32 s10, $0x1;
	s10 =	sld [smem:$0x3FBA]  }
0x3d: {  	_ =	shalt  }
0x3e: {  	_ =	shalt  }
0x3f: {  	_ =	shalt  }
0x40: {  	_ =	shalt  }
0x41: {  	_ =	shalt  }
0x42: {  	_ =	shalt  }
0x43: {  	_ =	shalt  }
0x44: {  	_ =	shalt  }
0x45: {  	_ =	shalt  }
0x46: {  	_ =	shalt  }
0x47: {  	_ =	shalt  }
0x48: {  	_ =	shalt  }
0x49: {  	_ =	shalt  }
0x4a: {  	_ =	shalt  }
0x4b: {  	_ =	shalt  }
0x4c: {  	_ =	shalt  }
0x4d: {  	_ =	shalt  }
0x4e: {  	_ =	shalt  }
0x4f: {  	_ =	shalt  }
0x50: {  	_ =	shalt  }
0x51: {  	_ =	shalt  }
0x52: {  	_ =	shalt  }
0x53: {  	_ =	shalt  }
0x54: {  	_ =	shalt  }
0x55: {  	_ =	shalt  }
0x56: {  	_ =	shalt  }
0x57: {  	_ =	shalt  }
0x58: {  	_ =	shalt  }
0x59: {  	_ =	shalt  }
0x5a: {  	_ =	shalt  }
0x5b: {  	_ =	shalt  }
0x5c: {  	_ =	shalt  }
0x5d: {  	_ =	shalt  }
0x5e: {  	_ =	shalt  }
0x5f: {  	_ =	shalt  }
0x60: {  	_ =	shalt  }
0x61: {  	_ =	shalt  }
0x62: {  	_ =	shalt  }
0x63: {  	_ =	shalt  }
0x64: {  	_ =	shalt  }
0x65: {  	_ =	shalt  }
0x66: {  	_ =	shalt  }
0x67: {  	_ =	shalt  }
0x68: {  	_ =	shalt  }
0x69: {  	_ =	shalt  }
0x6a: {  	_ =	shalt  }
0x6b: {  	_ =	shalt  }
0x6c: {  	_ =	shalt  }
0x6d: {  	_ =	shalt  }
0x6e: {  	_ =	shalt  }
0x6f: {  	_ =	shalt  }
0x70: {  	_ =	shalt  }
0x71: {  	_ =	shalt  }
0x72: {  	_ =	shalt  }
0x73: {  	_ =	shalt  }
0x74: {  	_ =	shalt  }
0x75: {  	_ =	shalt  }
0x76: {  	_ =	shalt  }
0x77: {  	_ =	shalt  }
0x78: {  	_ =	shalt  }
0x79: {  	_ =	shalt  }
0x7a: {  	_ =	shalt  }
0x7b: {  	_ =	shalt  }
0x7c: {  	_ =	shalt  }
0x7d: {  	_ =	shalt  }
0x7e: {  	_ =	shalt  }
0x7f: {  	_ =	shalt  }
0x80: {  	_ =	shalt  }
0x81: {  	_ =	shalt  }
0x82: {  	_ =	shalt  }
0x83: {  	_ =	shalt  }
0x84: {  	_ =	shalt  }
0x85: {  	_ =	shalt  }
0x86: {  	_ =	shalt  }
0x87: {  	_ =	shalt  }
.Lfunc_end0:
.L_simem_size_0:
called_computation_lowered:
.L_overlay_start_0:
0x88: {  	s0 =	sld [smem:$0x3FD9]  }
0x89: {  	s1 =	sld [smem:$0x3FFE];
	_ =	sdelay $0x3  }
0x8a: {  	s0 =	sadd.s32 s1, s0  }
0x8b: {  	[smem:$0x3FC6] =	sst s0  }
0x8c: {  	_ = 	snop  }
0x8d: {  	s0 =	sld [smem:$0x3FC8]  }
0x8e: {  	s17 =	sld [smem:$0x3FD0];
	(tm) =	ssettm $0x1  }
0x8f: {  	s2 =	sld [smem:$0x3FFB];
	_ =	sdelay $0x3  }
0x90: {  	_ =	strace s2  }
0x91: {  	s2 =	sld [smem:$0x3FFC];
	_ =	sdelay $0x3  }
0x92: {  	_ =	strace s2  }
0x93: {  	s2 =	sld [smem:$0x3FFD];
	_ =	sdelay $0x3  }
0x94: {  	_ =	strace s2  }
0x95: {  	_ =	strace $0x8FFFFFFF  }
0x96: {  	s18 =	sld [smem:$0x3FDB];
	_ =	sdelay $0x1  }
0x97: {  	s3 =	simm.s32 $_scs_section_size  }
0x98: {  	s4 =	simm.s32 $_size__tile_overlayer_lowered;
	s5 =	simm.s32 $_tile_overlayer_lowered  }
0x99: {  	s21 =	simm.s32 $0x1BFF;
	s20 =	sshll.u32 s5, $0x1;
	s2 =	sadd.s32 s3, s18  }
0x9a: {  	s6 =	simm.s32 $0x0;
	s19 =	sshll.u32 s4, $0x1;
	s4 =	sadd.s32 s20, s2  }
0x9b: {  	[timem:s6], [sflag:s21] =	dma.local [hbm:s4], s19  }
0x9c: {  	_ =	swait.ge [sflag:s21], s19  }
0x9d: {  	s3 =	ssub.s32 $0x0, s19;
	[sflag:s21] =	ssyncset.done $0x0  }
0x9e: {  	[sflag:s21] =	ssyncadd.s32 s3;
	_ =	sdelay $0x1  }
0x9f: {  	s22 =	simm.s32 $0x1B8B  }
0xa0: {  	_ =	swait.ge [sflag:s22], $0x1  }
0xa1: {  	[sflag:s22] =	ssyncset.done $0x0  }
0xa2: {  	s23 =	simm.s32 $0x1B8E;
	[sflag:s22] =	ssyncadd.s32 $0xFFFFFFFF  }
0xa3: {  	s24 =	simm.s32 $execute0_lowered;
	[smem:$0x3FD2] =	sst s23  }
0xa4: {  	s3 =	sshll.u32 s24, $0x1;
	_ =	strace $0x80000046;
	[dreg:$0x1] =	wrdreg $0xFFFFFFFF  }
0xa5: {  	s25 =	simm.s32 $_size_execute0_lowered;
	s2 =	sadd.s32 s2, s3;
	[dreg:$0x0] =	wrdreg $0x0  }
0xa6: {  	s3 =	sshll.u32 s25, $0x1;
	[dreg:$0x2] =	wrdreg s2  }
0xa7: {  	[dreg:$0x3] =	wrdreg s3  }
0xa8: {  	[dreg:$0x4] =	wrdreg $0xC0  }
0xa9: {  	_ =	task [dreg:s6], $0x5FFFF  }
0xaa: {  	[dreg:$0x1] =	wrdreg $0xFFFFFFFF  }
0xab: {  	[dreg:$0x0] =	wrdreg $0x60  }
0xac: {  	[dreg:$0x2] =	wrdreg s0  }
0xad: {  	[dreg:$0x3] =	wrdreg s17  }
0xae: {  	[dreg:$0x4] =	wrdreg $0xC800  }
0xaf: {  	[dreg:$0x5] =	wrdreg $0x9  }
0xb0: {  	_ =	task.clear_ibuf [dreg:s6], $0x6FFFF;
	_ =	strace $0x90000046  }
0xb1: {  	s26 =	simm.s32 $0x9;
	_ =	strace $0x80000048  }
0xb2: {  	_ =	swait.ge [sflag:s26], $0x1  }
0xb3: {  	[sflag:s26] =	ssyncadd.s32 $0xFFFFFFFF  }
0xb4: {  	_ =	strace $0x90000048  }
0xb5: {  	_ =	sfence  }
0xb6: {  	s28 =	sld [smem:$0x0];
	_ =	sdelay $0x1  }
0xb7: {  	s29 =	srdreg.scid  }
0xb8: {  	s30 =	sshll.u32 s29, $0xD;
	s31 =	sshrl.u32 s29, $0x2  }
0xb9: {  	s1 =	sand.u32 $0x1, s29;
	s2 =	sand.u32 $0x4000, s30;
	s0 =	sadd.s32 s31, s28  }
0xba: {  	s1 =	sor.u32 s2, s1;
	s0 =	sshll.u32 s0, $0x11  }
0xbb: {  	s0 =	sor.u32 s0, s1  }
0xbc: {  	s0 =	sadd.s32 $0x8F2B, s0  }
0xbd: {  	[sflag:s0] =	ssyncadd.remote.s32 $0x1  }
0xbe: {  	_ =	sfence.sel $0xFFFF  }
0xbf: {  	[dreg:$0x0] =	wrdreg $0xFFFFFFFF;
	(pc) =	sbr.abs _section_cstart, $3  }
0xc0: {  	[dreg:$0x1] =	wrdreg $0xFFFFFFFF  }
0xc1: {  	_ =	task.clear_ibuf [dreg:s6], $0x2FFFF;
	_ =	strace $0x9FFFFFFF  }
0xc2: {  	(tm) =	ssettm $0x7FFFFFFF  }
0xc3: {  	_ =	shalt  }
tec
execute0_lowered:
.L_overlay_start_1:
0x0: {  	(tag) =	ssettag $0x1  }
0x1: {  	s4 =	rddreg [dreg:$0x0]  }
0x2: {  	s2 =	rddreg [dreg:$0x1]  }
0x3: {  	s3 =	rddreg [dreg:$0x2];
	s5 =	simm.s32 $0x0;
	s1 =	stileid.u32  }
0x4: {  	[smem:$0x7FF] =	sst s5;
	s6 =	sshll.u32 s1, $0x7  }
0x5: {  	s0 =	rddreg [dreg:$0x3];
	_ =	strace $0x80000047;
	s4 =	sadd.s32 s4, s6  }
0x6: {  	v0 =	vimm.f32 $1.000000000e+00;
	[tilespmem:s5], [sflag:$0x1] =	stream.linear.gather [hbm4b:s4+s5], $0x400, $0x38;
	[tilespmem:$0x1480] =	vst v63  }
0x7: {  	[tilespmem:$0x400] =	vst v0  }
0x8: {  	[tilespmem:$0x410] =	vst v0  }
0x9: {  	[tilespmem:$0x420] =	vst v0  }
0xa: {  	[tilespmem:$0x430] =	vst v0  }
0xb: {  	[tilespmem:$0x440] =	vst v0  }
0xc: {  	[tilespmem:$0x450] =	vst v0  }
0xd: {  	[tilespmem:$0x460] =	vst v0  }
0xe: {  	s4 =	simm.s32 $0x4C0;
	[tilespmem:$0x470] =	vst v0;
	v0 =	vimm.f32 $0.0e+00  }
0xf: {  	[tilespmem:s4+$0xFFFFFFC0] =	vst v0  }
0x10: {  	[tilespmem:s4+$0x30] =	vst v0  }
0x11: {  	[tilespmem:s4+$0x20] =	vst v0  }
0x12: {  	[tilespmem:s4+$0x10] =	vst v0  }
0x13: {  	[tilespmem:s4+$0x0] =	vst v0  }
0x14: {  	[tilespmem:s4+$0xFFFFFFF0] =	vst v0  }
0x15: {  	s5 =	simm.s32 $0x0;
	[tilespmem:s4+$0xFFFFFFE0] =	vst v0  }
.LBB2_1:
0x16: {  	s5 =	sadd.s32 $0x8, s5;
	[tilespmem:s4+$0xFFFFFFD0] =	vst v0;
	s4 =	sadd.s32 $0x80, s4  }
0x17: {  	[tilespmem:s4+$0xFFFFFFC0] =	vst v0;
	p0 =	slt.u32 s5, $0x78  }
0x18: {  	[tilespmem:s4+$0x30] =	vst v0  }
.Ltmp0:
0x19: {  	[tilespmem:s4+$0x20] =	vst v0;
	(pc) =	sbr.rel @p0 .LBB2_1-.Ltmp0, $4  }
0x1a: {  	[tilespmem:s4+$0x10] =	vst v0  }
0x1b: {  	[tilespmem:s4+$0x0] =	vst v0  }
0x1c: {  	[tilespmem:s4+$0xFFFFFFF0] =	vst v0  }
0x1d: {  	[tilespmem:s4+$0xFFFFFFE0] =	vst v0  }
0x1e: {  	s5 =	sshll.u32 s1, $0xB  }
0x1f: {  	[tilespmem:s4+$0xFFFFFFD0] =	vst v0;
	s21 =	simm.s32 $0x480;
	s22 =	simm.s32 $0x2;
	s20 =	sadd.s32 s5, s3  }
0x20: {  	[spmem:s20] =	stream.linear.scatter [tilespmem:s21], [sflag:$0x2], $0x800, $0x38;
	[tilespmem:$0x1480] =	vst v63  }
0x21: {  	_ =	swait.ge [sflag:s22], $0x800  }
0x22: {  	[sflag:s22] =	ssyncset.done $0x0  }
0x23: {  	s6 =	simm.s32 $0x1;
	[sflag:s22] =	ssyncadd.s32 $0xFFFFF800  }
0x24: {  	_ =	swait.ge [sflag:s6], $0x400  }
0x25: {  	[sflag:s6] =	ssyncset.done $0x0  }
0x26: {  	s7 =	simm.s32 $0x80;
	[sflag:s6] =	ssyncadd.s32 $0xFFFFFC00  }
0x27: {  	s8 =	simm.s32 $0x0;
	s9 =	simm.s32 $0x400;
	[bflag:$0x0] =	sbarrier.arrive $0xFFFF  }
0x28: {  	[spmem:s3] =	stream.indirect.scatter.add.f32 [tilespmem:s9], [sflag:$0x1], $0x1, s8, s7, $0xb8;
	[tilespmem:$0x1480] =	vst v63  }
0x29: {  	_ = 	snop  }
0x2a: {  	[spmem:s3] =	stream.indirect.scatter.add.f32 [tilespmem:s9], [sflag:$0x1], $0x1, s7, s7, $0xb8;
	[tilespmem:$0x1480] =	vst v63  }
0x2b: {  	s23 =	simm.s32 $0x100  }
0x2c: {  	[spmem:s3] =	stream.indirect.scatter.add.f32 [tilespmem:s9], [sflag:$0x1], $0x1, s23, s7, $0xb8;
	[tilespmem:$0x1480] =	vst v63  }
0x2d: {  	s24 =	simm.s32 $0x180  }
0x2e: {  	[spmem:s3] =	stream.indirect.scatter.add.f32 [tilespmem:s9], [sflag:$0x1], $0x1, s24, s7, $0xb8;
	[tilespmem:$0x1480] =	vst v63  }
0x2f: {  	s25 =	simm.s32 $0x200  }
0x30: {  	[spmem:s3] =	stream.indirect.scatter.add.f32 [tilespmem:s9], [sflag:$0x1], $0x1, s25, s7, $0xb8;
	[tilespmem:$0x1480] =	vst v63  }
0x31: {  	s26 =	simm.s32 $0x280  }
0x32: {  	[spmem:s3] =	stream.indirect.scatter.add.f32 [tilespmem:s9], [sflag:$0x1], $0x1, s26, s7, $0xb8;
	[tilespmem:$0x1480] =	vst v63  }
0x33: {  	s28 =	simm.s32 $0x300  }
0x34: {  	[spmem:s3] =	stream.indirect.scatter.add.f32 [tilespmem:s9], [sflag:$0x1], $0x1, s28, s7, $0xb8;
	[tilespmem:$0x1480] =	vst v63  }
0x35: {  	s29 =	simm.s32 $0x380  }
0x36: {  	[spmem:s3] =	stream.indirect.scatter.add.f32 [tilespmem:s9], [sflag:$0x1], $0x1, s29, s7, $0xb8;
	[tilespmem:$0x1480] =	vst v63  }
0x37: {  	_ =	swait.ge [sflag:s6], $0x80  }
0x38: {  	[sflag:s6] =	ssyncset.done $0x0  }
0x39: {  	[sflag:s6] =	ssyncadd.s32 $0xFFFFFF80  }
0x3a: {  	_ =	swait.ge [sflag:s6], $0x80  }
0x3b: {  	[sflag:s6] =	ssyncset.done $0x0  }
0x3c: {  	[sflag:s6] =	ssyncadd.s32 $0xFFFFFF80  }
0x3d: {  	_ =	swait.ge [sflag:s6], $0x80  }
0x3e: {  	[sflag:s6] =	ssyncset.done $0x0  }
0x3f: {  	[sflag:s6] =	ssyncadd.s32 $0xFFFFFF80  }
0x40: {  	_ =	swait.ge [sflag:s6], $0x80  }
0x41: {  	[sflag:s6] =	ssyncset.done $0x0  }
0x42: {  	[sflag:s6] =	ssyncadd.s32 $0xFFFFFF80  }
0x43: {  	_ =	swait.ge [sflag:s6], $0x80  }
0x44: {  	[sflag:s6] =	ssyncset.done $0x0  }
0x45: {  	[sflag:s6] =	ssyncadd.s32 $0xFFFFFF80  }
0x46: {  	_ =	swait.ge [sflag:s6], $0x80  }
0x47: {  	[sflag:s6] =	ssyncset.done $0x0  }
0x48: {  	[sflag:s6] =	ssyncadd.s32 $0xFFFFFF80  }
0x49: {  	_ =	swait.ge [sflag:s6], $0x80  }
0x4a: {  	[sflag:s6] =	ssyncset.done $0x0  }
0x4b: {  	[sflag:s6] =	ssyncadd.s32 $0xFFFFFF80  }
0x4c: {  	_ =	swait.ge [sflag:s6], $0x80  }
0x4d: {  	s30 =	sshll.u32 s1, $0x8;
	[sflag:s6] =	ssyncset.done $0x0  }
0x4e: {  	s31 =	sshll.u32 s1, $0x6;
	s2 =	sadd.s32 s2, s30;
	[sflag:s6] =	ssyncadd.s32 $0xFFFFFF80  }
0x4f: {  	s4 =	sshrl.u32 s20, $0x3;
	s3 =	sor.u32 $0x1C02, s31;
	[bflag:$0x0] =	sbarrier.arrive $0xFFFF  }
0x50: {  	[hbm:s2], [sflag:s3] =	dma.local [spmem:s4], $0x100  }
0x51: {  	_ =	swait.ge [sflag:s22], $0x100  }
0x52: {  	[sflag:s22] =	ssyncset.done $0x0  }
0x53: {  	[sflag:s22] =	ssyncadd.s32 $0xFFFFFF00  }
0x54: {  	_ =	sfence.sel $0x180000  }
0x55: {  	[bflag:$0x0] =	sbarrier.arrive $0xFFFF  }
0x56: {  	p0 =	sne.s32 s1, $0x0;
	_ =	strace $0x90000047  }
0x57: {  	s0 =	sadd.s32 @!p0 $0x100000, s0;
	[bflag:$0x2] =	sbarrier.arrive $0xFFFF  }
0x58: {  	[sflag:s0] =	ssyncadd.tile.s32 @!p0 $0x1;
	_ =	shalt  }
.Lfunc_end2:
_tile_overlayer_lowered:
.L_overlay_start_2:
0x59: {  	(tag) =	ssettag $0x2  }
0x5a: {  	s0 =	rddreg [dreg:$0x0];
	s2 =	stileid.u32  }
0x5b: {  	s1 =	rddreg [dreg:$0x1];
	p0 =	sne.s32 s2, $0x0  }
0x5c: {  	s3 =	rddreg [dreg:$0x2];
	[bflag:$0x3] =	sbarrier.arrive $0xFFFF;
	s2 =	simm.s32 @!p0 $0x1C02  }
0x5d: {  	[timem:s3], [sflag:s2] =	dma.local @!p0 [hbm:s0], s1  }
0x5e: {  	s0 =	simm.s32 @!p0 $0x2  }
0x5f: {  	_ =	swait.ge @!p0 [sflag:s0], s1  }
0x60: {  	s1 =	ssub.s32 @!p0 $0x0, s1;
	[sflag:s0] =	ssyncset.done @!p0 $0x0  }
0x61: {  	[sflag:s0] =	ssyncadd.s32 @!p0 s1  }
0x62: {  	[bflag:$0x3] =	sbarrier.arrive $0xFFFF  }
0x63: {  	_ =	shalt  }

</sc_bundles>
